<compile_context>
chip_gen: v7x
topology: tpu7x:2x2x1
jax: 0.10.2.dev20260603
libtpu: 0.0.44.dev20260713+nightly
codegen_flags: <defaults>
</compile_context>

<pallas_src>
import functools

import jax
import jax.numpy as jnp
from jax import lax
from jax.experimental import pallas as pl
from jax.experimental.pallas import tpu as pltpu
from jax.experimental.pallas import tpu_sc as plsc

_NC = 2
_NS = 16
_NW = _NC * _NS

_G = 128
_CHUNK = 256
_GPC = _CHUNK // _G


def _x_gather_sc(x_flat, wpad, d):
    n = x_flat.shape[0]
    per_w = n // _NW
    k = per_w // _G
    n_chunks = per_w // _CHUNK
    x3 = x_flat.reshape(_NW, k, _G)

    mesh = plsc.VectorSubcoreMesh(core_axis_name="c", subcore_axis_name="s")

    @functools.partial(
        pl.kernel,
        out_type=jax.ShapeDtypeStruct((n, d), jnp.float32),
        mesh=mesh,
        compiler_params=pltpu.CompilerParams(use_tc_tiling_on_sc=False),
        scratch_types=[
            pltpu.VMEM((k, _G), jnp.int32),
            pltpu.VMEM((_CHUNK, 2 * d), jnp.float32),
            pltpu.VMEM((_CHUNK, 2 * d), jnp.float32),
            pltpu.SemaphoreType.DMA,
            pltpu.SemaphoreType.DMA,
            pltpu.SemaphoreType.DMA,
            pltpu.SemaphoreType.DMA,
        ],
    )
    def gather_kernel(x_hbm, w_hbm, out_hbm, idx_v, rows0, rows1,
                      gs0, gs1, ws0, ws1):
        wid = lax.axis_index("s") * _NC + lax.axis_index("c")
        base = wid * per_w
        rows = (rows0, rows1)
        gs = (gs0, gs1)
        ws = (ws0, ws1)
        pltpu.sync_copy(x_hbm.at[wid], idx_v)

        def fire(c, bi):
            @pl.when(c < n_chunks)
            def _():
                for g in range(_GPC):
                    pltpu.async_copy(
                        w_hbm.at[idx_v.at[c * _GPC + g]],
                        rows[bi].at[pl.ds(g * _G, _G)],
                        gs[bi],
                    )

        fire(0, 0)

        def chunk_body(c2, carry):
            for b in range(2):
                c = c2 * 2 + b

                @pl.when(c >= 1)
                def _():
                    pltpu.make_async_copy(
                        out_hbm.at[pl.ds(0, _CHUNK)],
                        rows[b ^ 1].at[:, pl.ds(0, d)],
                        ws[b ^ 1],
                    ).wait()

                fire(c + 1, b ^ 1)

                pltpu.make_async_copy(
                    w_hbm.at[pl.ds(0, _CHUNK)], rows[b], gs[b]
                ).wait()
                pltpu.async_copy(
                    rows[b].at[:, pl.ds(0, d)],
                    out_hbm.at[pl.ds(base + c * _CHUNK, _CHUNK)],
                    ws[b],
                )
            return carry

        lax.fori_loop(0, n_chunks // 2, chunk_body, 0)

        lb = (n_chunks - 1) % 2
        pltpu.make_async_copy(
            out_hbm.at[pl.ds(0, _CHUNK)], rows[lb].at[:, pl.ds(0, d)], ws[lb]
        ).wait()

    return gather_kernel(x3, wpad)


def _y_embed_tc(y, w1):
    s, b = y.shape[1], y.shape[0]
    v, d = w1.shape
    rows = 2048
    nb = b // rows
    yt4 = y.T.reshape(s, nb, 1, rows)
    w1p = jnp.pad(w1, ((0, 16 - v), (0, 0)))

    def body(y_ref, w1_ref, o_ref):
        idx = y_ref[0, 0, 0, :]
        oh = (idx[:, None] == lax.broadcasted_iota(jnp.int32, (rows, 16), 1))
        o_ref[0] = jax.lax.dot(
            oh.astype(jnp.float32), w1_ref[...],
            precision=jax.lax.Precision.HIGHEST,
            preferred_element_type=jnp.float32,
        )

    out = pl.pallas_call(
        body,
        grid=(s, nb),
        in_specs=[
            pl.BlockSpec((1, 1, 1, rows), lambda i, j: (i, j, 0, 0)),
            pl.BlockSpec((16, d), lambda i, j: (0, 0)),
        ],
        out_specs=pl.BlockSpec((1, rows, d), lambda i, j: (i, j, 0)),
        out_shape=jax.ShapeDtypeStruct((s, b, d), jnp.float32),
    )(yt4, w1p)
    return out.transpose(1, 0, 2)


def kernel(x, w0, y, w1):
    b, s = x.shape
    n = b * s
    y_emb = _y_embed_tc(y.astype(jnp.int32), w1)
    wpad = jnp.pad(w0, ((0, 0), (0, 128 - w0.shape[1])))
    guard = (y_emb[0, 0, 0] * 0.0).astype(jnp.int32)
    xs = x.T.astype(jnp.int32).reshape(n) + guard
    out = _x_gather_sc(xs, wpad, w0.shape[1])
    x_emb = out.reshape(s, b, w0.shape[1]).transpose(1, 0, 2)
    return (x_emb, y_emb)

# --- scband reference (transcript-rebuilt; emitter-appended) ---
"""Pipeline reference for scband-model-7035156431376 (READ-ONLY COPY).

The authoritative reference and input builder live on the scoring server;
editing this copy changes nothing except your own understanding.
"""

import jax, jax.numpy as jnp
import numpy as np


def setup_inputs(seed: int = 0) -> dict:
    key = jax.random.key(seed)
    k1, k2, k3, k4 = jax.random.split(key, 4)
    x = jax.random.randint(k1, (16384, 26), 0, 1000000)
    w0 = jax.random.normal(k2, (1000000, 64), dtype=jnp.float32)
    y = jax.random.randint(k3, (16384, 26), 0, 10)
    # learned parameter self.w1 = torch.rand(10, 128)
    w1 = jax.random.uniform(k4, (10, 128), dtype=jnp.float32)
    return {"x": x, "w0": w0, "y": y, "w1": w1}


def reference(x, w0, y, w1):
    # F.embedding(x, w0) -> row gather from w0
    x_emb = jnp.take(w0, x, axis=0)
    # F.embedding(y, self.w1) -> row gather from w1
    y_emb = jnp.take(w1, y, axis=0)
    return (x_emb, y_emb)

if __name__ == "__main__":
    import jax
    _d = setup_inputs()
    print(jax.jit(kernel)(*tuple(_d.values())))

</pallas_src>

<mosaic_0001>
#map = affine_map<(d0, d1) -> (0, 0, 0)>
#map1 = affine_map<(d0, d1) -> (0, 0)>
module attributes {stable_mosaic.version = 14 : i64} {
  func.func @gather_kernel(%arg0: i32, %arg1: i32, %arg2: memref<32x104x128xi32, #tpu.memory_space<hbm>>, %arg3: memref<1000000x128xf32, #tpu.memory_space<hbm>>, %arg4: memref<425984x64xf32, #tpu.memory_space<hbm>>, %arg5: memref<104x128xi32, #tpu.memory_space<vmem>>, %arg6: memref<256x128xf32, #tpu.memory_space<vmem>>, %arg7: memref<256x128xf32, #tpu.memory_space<vmem>>, %arg8: memref<!tpu.dma_semaphore, #tpu.memory_space<semaphore_mem>>, %arg9: memref<!tpu.dma_semaphore, #tpu.memory_space<semaphore_mem>>, %arg10: memref<!tpu.dma_semaphore, #tpu.memory_space<semaphore_mem>>, %arg11: memref<!tpu.dma_semaphore, #tpu.memory_space<semaphore_mem>>) attributes {dimension_semantics = [#tpu.dimension_semantics<core_parallel>, #tpu.dimension_semantics<subcore_parallel>], iteration_bounds = array<i64: 2, 16>, scalar_prefetch = 0 : i64, scratch_operands = 7 : i64, tpu.core_type = #tpu.core_type<sc_vector_subcore>, window_params = [{transform_indices = #map}, {transform_indices = #map1}, {transform_indices = #map1}]} {
    %mul3A = arith.constant 2 : i32
    %mul3A_0 = arith.muli %arg1, %mul3A : i32
    %add3A = arith.addi %mul3A_0, %arg0 : i32
    %mul3A_1 = arith.constant 13312 : i32
    %mul3A_2 = arith.muli %add3A, %mul3A_1 : i32
    "tpu.region"() ({
      %run_scoped3A = tpu.sem_alloc : memref<!tpu.dma_semaphore, #tpu.memory_space<semaphore_mem>>
      %dma_start3A_38 = arith.constant 0 : i32
      %dma_start3A_39 = arith.constant 0 : i32
      %dma_start3A_40 = tpu.memref_slice %arg2[%add3A, %dma_start3A_38, %dma_start3A_39] : memref<32x104x128xi32, #tpu.memory_space<hbm>> -> memref<1x104x128xi32, #tpu.memory_space<hbm>>
      %dma_start3A_41 = tpu.memref_squeeze %dma_start3A_40 : memref<1x104x128xi32, #tpu.memory_space<hbm>> -> memref<104x128xi32, #tpu.memory_space<hbm>>
      %dma_start3A_42 = arith.constant 0 : i32
      %dma_start3A_43 = arith.constant 0 : i32
      %dma_start3A_44 = tpu.memref_slice %arg2[%add3A, %dma_start3A_42, %dma_start3A_43] : memref<32x104x128xi32, #tpu.memory_space<hbm>> -> memref<1x104x128xi32, #tpu.memory_space<hbm>>
      %dma_start3A_45 = tpu.memref_squeeze %dma_start3A_44 : memref<1x104x128xi32, #tpu.memory_space<hbm>> -> memref<104x128xi32, #tpu.memory_space<hbm>>
      tpu.enqueue_dma source(%dma_start3A_45 : memref<104x128xi32, #tpu.memory_space<hbm>>) target(%arg5 : memref<104x128xi32, #tpu.memory_space<vmem>>) target_semaphore(%run_scoped3A : memref<!tpu.dma_semaphore, #tpu.memory_space<semaphore_mem>>)
      %dma_wait3A_46 = arith.constant 0 : i32
      %dma_wait3A_47 = arith.constant 0 : i32
      %dma_wait3A_48 = tpu.memref_slice %arg2[%add3A, %dma_wait3A_46, %dma_wait3A_47] : memref<32x104x128xi32, #tpu.memory_space<hbm>> -> memref<1x104x128xi32, #tpu.memory_space<hbm>>
      %dma_wait3A_49 = tpu.memref_squeeze %dma_wait3A_48 : memref<1x104x128xi32, #tpu.memory_space<hbm>> -> memref<104x128xi32, #tpu.memory_space<hbm>>
      %dma_wait3A_50 = arith.constant 0 : i32
      %dma_wait3A_51 = arith.constant 0 : i32
      %dma_wait3A_52 = tpu.memref_slice %arg2[%add3A, %dma_wait3A_50, %dma_wait3A_51] : memref<32x104x128xi32, #tpu.memory_space<hbm>> -> memref<1x104x128xi32, #tpu.memory_space<hbm>>
      %dma_wait3A_53 = tpu.memref_squeeze %dma_wait3A_52 : memref<1x104x128xi32, #tpu.memory_space<hbm>> -> memref<104x128xi32, #tpu.memory_space<hbm>>
      tpu.wait_dma2 semaphore(%run_scoped3A : memref<!tpu.dma_semaphore, #tpu.memory_space<semaphore_mem>>) src(%dma_wait3A_53 : memref<104x128xi32, #tpu.memory_space<hbm>>) dst(%arg5 : memref<104x128xi32, #tpu.memory_space<vmem>>)
      tpu.yield
    }) : () -> ()
    %dma_start3A = arith.constant 0 : i32
    %dma_start3A_3 = arith.constant 0 : i32
    %dma_start3A_4 = arith.constant 0 : i32
    %dma_start3A_5 = tpu.memref_slice %arg6[%dma_start3A_3, %dma_start3A_4] : memref<256x128xf32, #tpu.memory_space<vmem>> -> memref<128x128xf32, #tpu.memory_space<vmem>>
    %dma_start3A_6 = arith.constant 0 : i32
    %dma_start3A_7 = tpu.memref_slice %arg5[%dma_start3A, %dma_start3A_6] : memref<104x128xi32, #tpu.memory_space<vmem>> -> memref<1x128xi32, #tpu.memory_space<vmem>>
    %dma_start3A_8 = tpu.memref_squeeze %dma_start3A_7 : memref<1x128xi32, #tpu.memory_space<vmem>> -> memref<128xi32, #tpu.memory_space<vmem>>
    %dma_start3A_9 = arith.constant 0 : i32
    %dma_start3A_10 = arith.constant 0 : i32
    %dma_start3A_11 = tpu.memref_slice %arg3[%dma_start3A_9, %dma_start3A_10] : memref<1000000x128xf32, #tpu.memory_space<hbm>> -> memref<1000000x128xf32, #tpu.memory_space<hbm>>
    tpu.enqueue_indirect_dma source(%dma_start3A_11 : memref<1000000x128xf32, #tpu.memory_space<hbm>>) target(%dma_start3A_5 : memref<128x128xf32, #tpu.memory_space<vmem>>) offsets(%dma_start3A_8 : memref<128xi32, #tpu.memory_space<vmem>>) semaphore(%arg8 : memref<!tpu.dma_semaphore, #tpu.memory_space<semaphore_mem>>)
    %dma_start3A_12 = arith.constant 1 : i32
    %dma_start3A_13 = arith.constant 128 : i32
    %dma_start3A_14 = arith.constant 0 : i32
    %dma_start3A_15 = tpu.memref_slice %arg6[%dma_start3A_13, %dma_start3A_14] : memref<256x128xf32, #tpu.memory_space<vmem>> -> memref<128x128xf32, #tpu.memory_space<vmem>>
    %dma_start3A_16 = arith.constant 0 : i32
    %dma_start3A_17 = tpu.memref_slice %arg5[%dma_start3A_12, %dma_start3A_16] : memref<104x128xi32, #tpu.memory_space<vmem>> -> memref<1x128xi32, #tpu.memory_space<vmem>>
    %dma_start3A_18 = tpu.memref_squeeze %dma_start3A_17 : memref<1x128xi32, #tpu.memory_space<vmem>> -> memref<128xi32, #tpu.memory_space<vmem>>
    %dma_start3A_19 = arith.constant 0 : i32
    %dma_start3A_20 = arith.constant 0 : i32
    %dma_start3A_21 = tpu.memref_slice %arg3[%dma_start3A_19, %dma_start3A_20] : memref<1000000x128xf32, #tpu.memory_space<hbm>> -> memref<1000000x128xf32, #tpu.memory_space<hbm>>
    tpu.enqueue_indirect_dma source(%dma_start3A_21 : memref<1000000x128xf32, #tpu.memory_space<hbm>>) target(%dma_start3A_15 : memref<128x128xf32, #tpu.memory_space<vmem>>) offsets(%dma_start3A_18 : memref<128xi32, #tpu.memory_space<vmem>>) semaphore(%arg8 : memref<!tpu.dma_semaphore, #tpu.memory_space<semaphore_mem>>)
    %scan3A = arith.constant 0 : i32
    %scan3A_22 = arith.constant 0 : i32
    %scan3A_23 = arith.constant 26 : i32
    %scan3A_24 = arith.addi %scan3A_22, %scan3A_23 : i32
    %scan3A_25 = arith.constant 1 : i32
    scf.for %scan3A_38 = %scan3A_22 to %scan3A_24 step %scan3A_25  : i32 {
      %mul3A_39 = arith.constant 2 : i32
      %mul3A_40 = arith.muli %scan3A_38, %mul3A_39 : i32
      %add3A_41 = arith.constant 0 : i32
      %add3A_42 = arith.addi %mul3A_40, %add3A_41 : i32
      %ge3A = arith.constant 1 : i32
      %ge3A_43 = arith.cmpi sge, %add3A_42, %ge3A : i32
      %convert_element_type3A = arith.extui %ge3A_43 : i1 to i32
      %cond3A = arith.constant 0 : i32
      %cond3A_44 = arith.cmpi ne, %convert_element_type3A, %cond3A : i32
      scf.if %cond3A_44 {
        %dma_wait3A_105 = arith.constant 0 : i32
        %dma_wait3A_106 = arith.constant 0 : i32
        %dma_wait3A_107 = tpu.memref_slice %arg7[%dma_wait3A_105, %dma_wait3A_106] : memref<256x128xf32, #tpu.memory_space<vmem>> -> memref<256x64xf32, #tpu.memory_space<vmem>>
        %dma_wait3A_108 = arith.constant 0 : i32
        %dma_wait3A_109 = arith.constant 0 : i32
        %dma_wait3A_110 = tpu.memref_slice %arg4[%dma_wait3A_108, %dma_wait3A_109] : memref<425984x64xf32, #tpu.memory_space<hbm>> -> memref<256x64xf32, #tpu.memory_space<hbm>>
        %dma_wait3A_111 = arith.constant 0 : i32
        %dma_wait3A_112 = arith.constant 0 : i32
        %dma_wait3A_113 = tpu.memref_slice %arg7[%dma_wait3A_111, %dma_wait3A_112] : memref<256x128xf32, #tpu.memory_space<vmem>> -> memref<256x64xf32, #tpu.memory_space<vmem>>
        %dma_wait3A_114 = arith.constant 0 : i32
        %dma_wait3A_115 = arith.constant 0 : i32
        %dma_wait3A_116 = tpu.memref_slice %arg4[%dma_wait3A_114, %dma_wait3A_115] : memref<425984x64xf32, #tpu.memory_space<hbm>> -> memref<256x64xf32, #tpu.memory_space<hbm>>
        tpu.wait_dma2 semaphore(%arg11 : memref<!tpu.dma_semaphore, #tpu.memory_space<semaphore_mem>>) src(%dma_wait3A_116 : memref<256x64xf32, #tpu.memory_space<hbm>>) dst(%dma_wait3A_113 : memref<256x64xf32, #tpu.memory_space<vmem>>)
      } else {
      }
      %add3A_45 = arith.constant 1 : i32
      %add3A_46 = arith.addi %add3A_42, %add3A_45 : i32
      %lt3A = arith.constant 52 : i32
      %lt3A_47 = arith.cmpi slt, %add3A_46, %lt3A : i32
      %convert_element_type3A_48 = arith.extui %lt3A_47 : i1 to i32
      %cond3A_49 = arith.constant 0 : i32
      %cond3A_50 = arith.cmpi ne, %convert_element_type3A_48, %cond3A_49 : i32
      scf.if %cond3A_50 {
        %mul3A_105 = arith.constant 2 : i32
        %mul3A_106 = arith.muli %add3A_46, %mul3A_105 : i32
        %add3A_107 = arith.constant 0 : i32
        %add3A_108 = arith.addi %mul3A_106, %add3A_107 : i32
        %dma_start3A_109 = arith.constant 0 : i32
        %dma_start3A_110 = arith.constant 0 : i32
        %dma_start3A_111 = tpu.memref_slice %arg7[%dma_start3A_109, %dma_start3A_110] : memref<256x128xf32, #tpu.memory_space<vmem>> -> memref<128x128xf32, #tpu.memory_space<vmem>>
        %dma_start3A_112 = arith.constant 0 : i32
        %dma_start3A_113 = tpu.memref_slice %arg5[%add3A_108, %dma_start3A_112] : memref<104x128xi32, #tpu.memory_space<vmem>> -> memref<1x128xi32, #tpu.memory_space<vmem>>
        %dma_start3A_114 = tpu.memref_squeeze %dma_start3A_113 : memref<1x128xi32, #tpu.memory_space<vmem>> -> memref<128xi32, #tpu.memory_space<vmem>>
        %dma_start3A_115 = arith.constant 0 : i32
        %dma_start3A_116 = arith.constant 0 : i32
        %dma_start3A_117 = tpu.memref_slice %arg3[%dma_start3A_115, %dma_start3A_116] : memref<1000000x128xf32, #tpu.memory_space<hbm>> -> memref<1000000x128xf32, #tpu.memory_space<hbm>>
        tpu.enqueue_indirect_dma source(%dma_start3A_117 : memref<1000000x128xf32, #tpu.memory_space<hbm>>) target(%dma_start3A_111 : memref<128x128xf32, #tpu.memory_space<vmem>>) offsets(%dma_start3A_114 : memref<128xi32, #tpu.memory_space<vmem>>) semaphore(%arg9 : memref<!tpu.dma_semaphore, #tpu.memory_space<semaphore_mem>>)
        %mul3A_118 = arith.constant 2 : i32
        %mul3A_119 = arith.muli %add3A_46, %mul3A_118 : i32
        %add3A_120 = arith.constant 1 : i32
        %add3A_121 = arith.addi %mul3A_119, %add3A_120 : i32
        %dma_start3A_122 = arith.constant 128 : i32
        %dma_start3A_123 = arith.constant 0 : i32
        %dma_start3A_124 = tpu.memref_slice %arg7[%dma_start3A_122, %dma_start3A_123] : memref<256x128xf32, #tpu.memory_space<vmem>> -> memref<128x128xf32, #tpu.memory_space<vmem>>
        %dma_start3A_125 = arith.constant 0 : i32
        %dma_start3A_126 = tpu.memref_slice %arg5[%add3A_121, %dma_start3A_125] : memref<104x128xi32, #tpu.memory_space<vmem>> -> memref<1x128xi32, #tpu.memory_space<vmem>>
        %dma_start3A_127 = tpu.memref_squeeze %dma_start3A_126 : memref<1x128xi32, #tpu.memory_space<vmem>> -> memref<128xi32, #tpu.memory_space<vmem>>
        %dma_start3A_128 = arith.constant 0 : i32
        %dma_start3A_129 = arith.constant 0 : i32
        %dma_start3A_130 = tpu.memref_slice %arg3[%dma_start3A_128, %dma_start3A_129] : memref<1000000x128xf32, #tpu.memory_space<hbm>> -> memref<1000000x128xf32, #tpu.memory_space<hbm>>
        tpu.enqueue_indirect_dma source(%dma_start3A_130 : memref<1000000x128xf32, #tpu.memory_space<hbm>>) target(%dma_start3A_124 : memref<128x128xf32, #tpu.memory_space<vmem>>) offsets(%dma_start3A_127 : memref<128xi32, #tpu.memory_space<vmem>>) semaphore(%arg9 : memref<!tpu.dma_semaphore, #tpu.memory_space<semaphore_mem>>)
      } else {
      }
      %dma_wait3A_51 = arith.constant 0 : i32
      %dma_wait3A_52 = arith.constant 0 : i32
      %dma_wait3A_53 = tpu.memref_slice %arg3[%dma_wait3A_51, %dma_wait3A_52] : memref<1000000x128xf32, #tpu.memory_space<hbm>> -> memref<256x128xf32, #tpu.memory_space<hbm>>
      %dma_wait3A_54 = arith.constant 0 : i32
      %dma_wait3A_55 = arith.constant 0 : i32
      %dma_wait3A_56 = tpu.memref_slice %arg3[%dma_wait3A_54, %dma_wait3A_55] : memref<1000000x128xf32, #tpu.memory_space<hbm>> -> memref<256x128xf32, #tpu.memory_space<hbm>>
      tpu.wait_dma2 semaphore(%arg8 : memref<!tpu.dma_semaphore, #tpu.memory_space<semaphore_mem>>) src(%dma_wait3A_56 : memref<256x128xf32, #tpu.memory_space<hbm>>) dst(%arg6 : memref<256x128xf32, #tpu.memory_space<vmem>>)
      %mul3A_57 = arith.constant 256 : i32
      %mul3A_58 = arith.muli %add3A_42, %mul3A_57 : i32
      %add3A_59 = arith.addi %mul3A_2, %mul3A_58 : i32
      %dma_start3A_60 = arith.constant 0 : i32
      %dma_start3A_61 = arith.constant 0 : i32
      %dma_start3A_62 = tpu.memref_slice %arg6[%dma_start3A_60, %dma_start3A_61] : memref<256x128xf32, #tpu.memory_space<vmem>> -> memref<256x64xf32, #tpu.memory_space<vmem>>
      %dma_start3A_63 = arith.constant 0 : i32
      %dma_start3A_64 = tpu.memref_slice %arg4[%add3A_59, %dma_start3A_63] : memref<425984x64xf32, #tpu.memory_space<hbm>> -> memref<256x64xf32, #tpu.memory_space<hbm>>
      %dma_start3A_65 = arith.constant 0 : i32
      %dma_start3A_66 = tpu.memref_slice %arg4[%add3A_59, %dma_start3A_65] : memref<425984x64xf32, #tpu.memory_space<hbm>> -> memref<256x64xf32, #tpu.memory_space<hbm>>
      %dma_start3A_67 = arith.constant 0 : i32
      %dma_start3A_68 = arith.constant 0 : i32
      %dma_start3A_69 = tpu.memref_slice %arg6[%dma_start3A_67, %dma_start3A_68] : memref<256x128xf32, #tpu.memory_space<vmem>> -> memref<256x64xf32, #tpu.memory_space<vmem>>
      tpu.enqueue_dma source(%dma_start3A_69 : memref<256x64xf32, #tpu.memory_space<vmem>>) target(%dma_start3A_66 : memref<256x64xf32, #tpu.memory_space<hbm>>) target_semaphore(%arg10 : memref<!tpu.dma_semaphore, #tpu.memory_space<semaphore_mem>>)
      %mul3A_70 = arith.constant 2 : i32
      %mul3A_71 = arith.muli %scan3A_38, %mul3A_70 : i32
      %add3A_72 = arith.constant 1 : i32
      %add3A_73 = arith.addi %mul3A_71, %add3A_72 : i32
      %ge3A_74 = arith.constant 1 : i32
      %ge3A_75 = arith.cmpi sge, %add3A_73, %ge3A_74 : i32
      %convert_element_type3A_76 = arith.extui %ge3A_75 : i1 to i32
      %cond3A_77 = arith.constant 0 : i32
      %cond3A_78 = arith.cmpi ne, %convert_element_type3A_76, %cond3A_77 : i32
      scf.if %cond3A_78 {
        %dma_wait3A_105 = arith.constant 0 : i32
        %dma_wait3A_106 = arith.constant 0 : i32
        %dma_wait3A_107 = tpu.memref_slice %arg6[%dma_wait3A_105, %dma_wait3A_106] : memref<256x128xf32, #tpu.memory_space<vmem>> -> memref<256x64xf32, #tpu.memory_space<vmem>>
        %dma_wait3A_108 = arith.constant 0 : i32
        %dma_wait3A_109 = arith.constant 0 : i32
        %dma_wait3A_110 = tpu.memref_slice %arg4[%dma_wait3A_108, %dma_wait3A_109] : memref<425984x64xf32, #tpu.memory_space<hbm>> -> memref<256x64xf32, #tpu.memory_space<hbm>>
        %dma_wait3A_111 = arith.constant 0 : i32
        %dma_wait3A_112 = arith.constant 0 : i32
        %dma_wait3A_113 = tpu.memref_slice %arg6[%dma_wait3A_111, %dma_wait3A_112] : memref<256x128xf32, #tpu.memory_space<vmem>> -> memref<256x64xf32, #tpu.memory_space<vmem>>
        %dma_wait3A_114 = arith.constant 0 : i32
        %dma_wait3A_115 = arith.constant 0 : i32
        %dma_wait3A_116 = tpu.memref_slice %arg4[%dma_wait3A_114, %dma_wait3A_115] : memref<425984x64xf32, #tpu.memory_space<hbm>> -> memref<256x64xf32, #tpu.memory_space<hbm>>
        tpu.wait_dma2 semaphore(%arg10 : memref<!tpu.dma_semaphore, #tpu.memory_space<semaphore_mem>>) src(%dma_wait3A_116 : memref<256x64xf32, #tpu.memory_space<hbm>>) dst(%dma_wait3A_113 : memref<256x64xf32, #tpu.memory_space<vmem>>)
      } else {
      }
      %add3A_79 = arith.constant 1 : i32
      %add3A_80 = arith.addi %add3A_73, %add3A_79 : i32
      %lt3A_81 = arith.constant 52 : i32
      %lt3A_82 = arith.cmpi slt, %add3A_80, %lt3A_81 : i32
      %convert_element_type3A_83 = arith.extui %lt3A_82 : i1 to i32
      %cond3A_84 = arith.constant 0 : i32
      %cond3A_85 = arith.cmpi ne, %convert_element_type3A_83, %cond3A_84 : i32
      scf.if %cond3A_85 {
        %mul3A_105 = arith.constant 2 : i32
        %mul3A_106 = arith.muli %add3A_80, %mul3A_105 : i32
        %add3A_107 = arith.constant 0 : i32
        %add3A_108 = arith.addi %mul3A_106, %add3A_107 : i32
        %dma_start3A_109 = arith.constant 0 : i32
        %dma_start3A_110 = arith.constant 0 : i32
        %dma_start3A_111 = tpu.memref_slice %arg6[%dma_start3A_109, %dma_start3A_110] : memref<256x128xf32, #tpu.memory_space<vmem>> -> memref<128x128xf32, #tpu.memory_space<vmem>>
        %dma_start3A_112 = arith.constant 0 : i32
        %dma_start3A_113 = tpu.memref_slice %arg5[%add3A_108, %dma_start3A_112] : memref<104x128xi32, #tpu.memory_space<vmem>> -> memref<1x128xi32, #tpu.memory_space<vmem>>
        %dma_start3A_114 = tpu.memref_squeeze %dma_start3A_113 : memref<1x128xi32, #tpu.memory_space<vmem>> -> memref<128xi32, #tpu.memory_space<vmem>>
        %dma_start3A_115 = arith.constant 0 : i32
        %dma_start3A_116 = arith.constant 0 : i32
        %dma_start3A_117 = tpu.memref_slice %arg3[%dma_start3A_115, %dma_start3A_116] : memref<1000000x128xf32, #tpu.memory_space<hbm>> -> memref<1000000x128xf32, #tpu.memory_space<hbm>>
        tpu.enqueue_indirect_dma source(%dma_start3A_117 : memref<1000000x128xf32, #tpu.memory_space<hbm>>) target(%dma_start3A_111 : memref<128x128xf32, #tpu.memory_space<vmem>>) offsets(%dma_start3A_114 : memref<128xi32, #tpu.memory_space<vmem>>) semaphore(%arg8 : memref<!tpu.dma_semaphore, #tpu.memory_space<semaphore_mem>>)
        %mul3A_118 = arith.constant 2 : i32
        %mul3A_119 = arith.muli %add3A_80, %mul3A_118 : i32
        %add3A_120 = arith.constant 1 : i32
        %add3A_121 = arith.addi %mul3A_119, %add3A_120 : i32
        %dma_start3A_122 = arith.constant 128 : i32
        %dma_start3A_123 = arith.constant 0 : i32
        %dma_start3A_124 = tpu.memref_slice %arg6[%dma_start3A_122, %dma_start3A_123] : memref<256x128xf32, #tpu.memory_space<vmem>> -> memref<128x128xf32, #tpu.memory_space<vmem>>
        %dma_start3A_125 = arith.constant 0 : i32
        %dma_start3A_126 = tpu.memref_slice %arg5[%add3A_121, %dma_start3A_125] : memref<104x128xi32, #tpu.memory_space<vmem>> -> memref<1x128xi32, #tpu.memory_space<vmem>>
        %dma_start3A_127 = tpu.memref_squeeze %dma_start3A_126 : memref<1x128xi32, #tpu.memory_space<vmem>> -> memref<128xi32, #tpu.memory_space<vmem>>
        %dma_start3A_128 = arith.constant 0 : i32
        %dma_start3A_129 = arith.constant 0 : i32
        %dma_start3A_130 = tpu.memref_slice %arg3[%dma_start3A_128, %dma_start3A_129] : memref<1000000x128xf32, #tpu.memory_space<hbm>> -> memref<1000000x128xf32, #tpu.memory_space<hbm>>
        tpu.enqueue_indirect_dma source(%dma_start3A_130 : memref<1000000x128xf32, #tpu.memory_space<hbm>>) target(%dma_start3A_124 : memref<128x128xf32, #tpu.memory_space<vmem>>) offsets(%dma_start3A_127 : memref<128xi32, #tpu.memory_space<vmem>>) semaphore(%arg8 : memref<!tpu.dma_semaphore, #tpu.memory_space<semaphore_mem>>)
      } else {
      }
      %dma_wait3A_86 = arith.constant 0 : i32
      %dma_wait3A_87 = arith.constant 0 : i32
      %dma_wait3A_88 = tpu.memref_slice %arg3[%dma_wait3A_86, %dma_wait3A_87] : memref<1000000x128xf32, #tpu.memory_space<hbm>> -> memref<256x128xf32, #tpu.memory_space<hbm>>
      %dma_wait3A_89 = arith.constant 0 : i32
      %dma_wait3A_90 = arith.constant 0 : i32
      %dma_wait3A_91 = tpu.memref_slice %arg3[%dma_wait3A_89, %dma_wait3A_90] : memref<1000000x128xf32, #tpu.memory_space<hbm>> -> memref<256x128xf32, #tpu.memory_space<hbm>>
      tpu.wait_dma2 semaphore(%arg9 : memref<!tpu.dma_semaphore, #tpu.memory_space<semaphore_mem>>) src(%dma_wait3A_91 : memref<256x128xf32, #tpu.memory_space<hbm>>) dst(%arg7 : memref<256x128xf32, #tpu.memory_space<vmem>>)
      %mul3A_92 = arith.constant 256 : i32
      %mul3A_93 = arith.muli %add3A_73, %mul3A_92 : i32
      %add3A_94 = arith.addi %mul3A_2, %mul3A_93 : i32
      %dma_start3A_95 = arith.constant 0 : i32
      %dma_start3A_96 = arith.constant 0 : i32
      %dma_start3A_97 = tpu.memref_slice %arg7[%dma_start3A_95, %dma_start3A_96] : memref<256x128xf32, #tpu.memory_space<vmem>> -> memref<256x64xf32, #tpu.memory_space<vmem>>
      %dma_start3A_98 = arith.constant 0 : i32
      %dma_start3A_99 = tpu.memref_slice %arg4[%add3A_94, %dma_start3A_98] : memref<425984x64xf32, #tpu.memory_space<hbm>> -> memref<256x64xf32, #tpu.memory_space<hbm>>
      %dma_start3A_100 = arith.constant 0 : i32
      %dma_start3A_101 = tpu.memref_slice %arg4[%add3A_94, %dma_start3A_100] : memref<425984x64xf32, #tpu.memory_space<hbm>> -> memref<256x64xf32, #tpu.memory_space<hbm>>
      %dma_start3A_102 = arith.constant 0 : i32
      %dma_start3A_103 = arith.constant 0 : i32
      %dma_start3A_104 = tpu.memref_slice %arg7[%dma_start3A_102, %dma_start3A_103] : memref<256x128xf32, #tpu.memory_space<vmem>> -> memref<256x64xf32, #tpu.memory_space<vmem>>
      tpu.enqueue_dma source(%dma_start3A_104 : memref<256x64xf32, #tpu.memory_space<vmem>>) target(%dma_start3A_101 : memref<256x64xf32, #tpu.memory_space<hbm>>) target_semaphore(%arg11 : memref<!tpu.dma_semaphore, #tpu.memory_space<semaphore_mem>>)
    }
    %scan3A_26 = arith.constant 26 : i32
    %dma_wait3A = arith.constant 0 : i32
    %dma_wait3A_27 = arith.constant 0 : i32
    %dma_wait3A_28 = tpu.memref_slice %arg7[%dma_wait3A, %dma_wait3A_27] : memref<256x128xf32, #tpu.memory_space<vmem>> -> memref<256x64xf32, #tpu.memory_space<vmem>>
    %dma_wait3A_29 = arith.constant 0 : i32
    %dma_wait3A_30 = arith.constant 0 : i32
    %dma_wait3A_31 = tpu.memref_slice %arg4[%dma_wait3A_29, %dma_wait3A_30] : memref<425984x64xf32, #tpu.memory_space<hbm>> -> memref<256x64xf32, #tpu.memory_space<hbm>>
    %dma_wait3A_32 = arith.constant 0 : i32
    %dma_wait3A_33 = arith.constant 0 : i32
    %dma_wait3A_34 = tpu.memref_slice %arg7[%dma_wait3A_32, %dma_wait3A_33] : memref<256x128xf32, #tpu.memory_space<vmem>> -> memref<256x64xf32, #tpu.memory_space<vmem>>
    %dma_wait3A_35 = arith.constant 0 : i32
    %dma_wait3A_36 = arith.constant 0 : i32
    %dma_wait3A_37 = tpu.memref_slice %arg4[%dma_wait3A_35, %dma_wait3A_36] : memref<425984x64xf32, #tpu.memory_space<hbm>> -> memref<256x64xf32, #tpu.memory_space<hbm>>
    tpu.wait_dma2 semaphore(%arg11 : memref<!tpu.dma_semaphore, #tpu.memory_space<semaphore_mem>>) src(%dma_wait3A_37 : memref<256x64xf32, #tpu.memory_space<hbm>>) dst(%dma_wait3A_34 : memref<256x64xf32, #tpu.memory_space<vmem>>)
    return
  }
}

module attributes {stable_mosaic.version = 14 : i64} {
  func.func @body(%arg0: i32, %arg1: i32, %arg2: memref<1x1x1x2048xi32, #tpu.memory_space<vmem>>, %arg3: memref<16x128xf32, #tpu.memory_space<vmem>>, %arg4: memref<1x2048x128xf32, #tpu.memory_space<vmem>>) attributes {dimension_semantics = [#tpu.dimension_semantics<arbitrary>, #tpu.dimension_semantics<arbitrary>], iteration_bounds = array<i64: 26, 8>, scalar_prefetch = 0 : i64, scratch_operands = 0 : i64, tpu.core_type = #tpu.core_type<tc>, window_params = [{transform_indices = @transform_0, window_bounds = array<i64: 1, 1, 1, 2048>}, {pipeline_mode = #tpu.pipeline_mode<synchronous>, transform_indices = @transform_1, window_bounds = array<i64: 16, 128>}, {transform_indices = @transform_2, window_bounds = array<i64: 1, 2048, 128>}]} {
    %get3A = arith.constant 0 : index
    %get3A_0 = arith.constant 0 : index
    %get3A_1 = arith.constant 0 : index
    %get3A_2 = arith.constant 0 : index
    %get3A_3 = vector.load %arg2[%get3A, %get3A_0, %get3A_1, %get3A_2] : memref<1x1x1x2048xi32, #tpu.memory_space<vmem>>, vector<1x1x1x2048xi32>
    %get3A_4 = vector.shape_cast %get3A_3 : vector<1x1x1x2048xi32> to vector<2048xi32>
    %broadcast_in_dim3A = vector.shape_cast %get3A_4 : vector<2048xi32> to vector<2048x1xi32>
    %iota3A = tpu.iota {dimensions = array<i32: 1>} : vector<2048x16xi32>
    %eq3A = vector.broadcast %broadcast_in_dim3A : vector<2048x1xi32> to vector<2048x16xi32>
    %eq3A_5 = arith.cmpi eq, %eq3A, %iota3A : vector<2048x16xi32>
    %convert_element_type3A = arith.extui %eq3A_5 : vector<2048x16xi1> to vector<2048x16xi32>
    %convert_element_type3A_6 = arith.sitofp %convert_element_type3A : vector<2048x16xi32> to vector<2048x16xf32>
    %get3A_7 = arith.constant 0 : index
    %get3A_8 = arith.constant 0 : index
    %get3A_9 = vector.load %arg3[%get3A_7, %get3A_8] : memref<16x128xf32, #tpu.memory_space<vmem>>, vector<16x128xf32>
    %dot_general3A = arith.constant dense<0.000000e+00> : vector<2048x128xf32>
    %dot_general3A_10 = tpu.matmul %convert_element_type3A_6, %get3A_9, %dot_general3A {dimension_numbers = #tpu.dot_dimension_numbers<[1], [0], [0], [1], [0, 0, 1, 1], [], []>, precision = #tpu.contract_precision<fp32>, transpose_lhs_hint = false} : vector<2048x16xf32>, vector<16x128xf32>, vector<2048x128xf32> -> vector<2048x128xf32>
    %swap3A = arith.constant 0 : index
    %swap3A_11 = arith.constant 0 : index
    %swap3A_12 = arith.constant 0 : index
    %swap3A_13 = vector.load %arg4[%swap3A, %swap3A_11, %swap3A_12] : memref<1x2048x128xf32, #tpu.memory_space<vmem>>, vector<1x2048x128xf32>
    %swap3A_14 = vector.shape_cast %swap3A_13 : vector<1x2048x128xf32> to vector<2048x128xf32>
    %swap3A_15 = vector.shape_cast %dot_general3A_10 : vector<2048x128xf32> to vector<1x2048x128xf32>
    tpu.vector_store %arg4[%swap3A, %swap3A_11, %swap3A_12], %swap3A_15 {strides = array<i32>} : memref<1x2048x128xf32, #tpu.memory_space<vmem>>, vector<1x2048x128xf32>,
    return
  }
  func.func @transform_0(%arg0: i32, %arg1: i32) -> (i32, i32, i32, i32) {
    %c0_i32 = arith.constant 0 : i32
    %c0_i32_0 = arith.constant 0 : i32
    %c0_i32_1 = arith.constant 0 : i32
    return %arg0, %arg1, %c0_i32, %c0_i32_0 : i32, i32, i32, i32
  }
  func.func @transform_1(%arg0: i32, %arg1: i32) -> (i32, i32) {
    %c0_i32 = arith.constant 0 : i32
    %c0_i32_0 = arith.constant 0 : i32
    %c0_i32_1 = arith.constant 0 : i32
    return %c0_i32, %c0_i32_0 : i32, i32
  }
  func.func @transform_2(%arg0: i32, %arg1: i32) -> (i32, i32, i32) {
    %c0_i32 = arith.constant 0 : i32
    %c0_i32_0 = arith.constant 0 : i32
    return %arg0, %arg1, %c0_i32 : i32, i32, i32
  }
}

</mosaic_0001>

<sc_bundles>
// kernel: kernel.4.cloned.1.call-start
scs
__scs_entry_jumppad:
0x0: {  	(pc) =	sbr.rel $0x88, $3  }
0x1: {  	(tag) =	ssettag $0x0;
	lr =	simm.s32 $0x1  }
0x2: {  	[smem:$0x3F9D] =	sst lr;
	_ =	strace $0xD0000000  }
0x3: {  	_ = 	snop  }
0x4: {  	_ = 	snop  }
0x5: {  	_ = 	snop  }
0x6: {  	_ = 	snop  }
0x7: {  	_ = 	snop  }
__scs_overlays_trampoline_lowered:
0x8: {  	[smem:$0x3FAC] =	sst s0  }
0x9: {  	[smem:$0x3FAD] =	sst s1  }
0xa: {  	[smem:$0x3FAE] =	sst s2  }
0xb: {  	[smem:$0x3FAF] =	sst s3  }
0xc: {  	[smem:$0x3FB0] =	sst s4  }
0xd: {  	[smem:$0x3FB1] =	sst s5  }
0xe: {  	[smem:$0x3FB2] =	sst s6  }
0xf: {  	[smem:$0x3FB3] =	sst s7  }
0x10: {  	[smem:$0x3FB4] =	sst s8  }
0x11: {  	[smem:$0x3FB5] =	sst s9;
	s0 =	simm.s32 @!p0 $0x0  }
0x12: {  	s1 =	sld [smem:$0x3F9B];
	s0 =	simm.s32 @p0 $0x1  }
0x13: {  	[smem:$0x3FB6] =	sst s0;
	s0 =	simm.s32 @!p1 $0x0  }
0x14: {  	s2 =	sld [smem:$0x3F9A];
	s0 =	simm.s32 @p1 $0x1  }
0x15: {  	[smem:$0x3FB7] =	sst s0;
	s0 =	simm.s32 @!p2 $0x0  }
0x16: {  	s3 =	sld [smem:$0x3FDB];
	s0 =	simm.s32 @p2 $0x1  }
0x17: {  	s4 =	simm.s32 $0x1BF5;
	[smem:$0x3FB9] =	sst s0  }
0x18: {  	s0 =	sld [smem:$0x3F9C];
	_ =	swait.ge [sflag:s4], $0x0  }
0x19: {  	s7 =	sld [smem:$0x3F9D]  }
0x1a: {  	s8 =	sadd.s32 $0xFFFFE003, lr  }
0x1b: {  	s9 =	sadd.s32 $0xFFFFFEF7, lr;
	s5 =	simm.s32 $0xFFFFFFFF;
	p2 =	slt.u32 s8, $0xFFFFF086  }
0x1c: {  	p1 =	slt.u32 s9, $0xF7A;
	s5 =	simm.s32 @!p2 $0x0  }
0x1d: {  	s5 =	simm.s32 @p1 $0x1;
	p0 =	seq.s32 s7, s2  }
0x1e: {  	s7 =	smul.u32 @!p0 $0xF7A, s2;
	p2 =	seq.s32 @!p0 s5, $0x0  }
0x1f: {  	s9 =	smul.u32 $0xF7A, s1;
	s8 =	simm.s32 @!p0 $0x1BF5;
	p2 =	por !p2, p0  }
0x20: {  	[sflag:s8] =	ssyncset.s32 @!p0 $0xFFFFF086;
	s6 =	sadd.s32 @!p0 s3, s7;
	s7 =	simm.s32 @!p0 $0x108  }
0x21: {  	s3 =	sadd.s32 s3, s9;
	s6 =	sadd.s32 @!p0 $0x88, s6;
	s7 =	simm.s32 @p2 $0x1082  }
0x22: {  	[simem:s7], [sflag:s8] =	dma.local @!p0 [hbm:s6], $0xF7A  }
0x23: {  	s9 =	sor.u32 $0xD0000000, s2;
	s6 =	simm.s32 $0x108;
	_ =	swait.ge @!p0 [sflag:s8], $0x0  }
0x24: {  	s3 =	sadd.s32 $0x88, s3;
	s6 =	simm.s32 @!p1 $0x1082;
	[sflag:s4] =	ssyncset.s32 $0xFFFFF086  }
0x25: {  	[simem:s6], [sflag:s4] =	dma.local [hbm:s3], $0xF7A  }
0x26: {  	[smem:$0x3F9D] =	sst s1;
	(tag) =	ssettag s2;
	_ =	strace s9  }
0x27: {  	s1 =	sld [smem:$0x3FAD]  }
0x28: {  	s2 =	sld [smem:$0x3FAE]  }
0x29: {  	s4 =	sld [smem:$0x3FB0]  }
0x2a: {  	p0 =	seq.s32 s5, $0x0;
	s5 =	sld [smem:$0x3FB1]  }
0x2b: {  	s6 =	sld [smem:$0x3FB2]  }
0x2c: {  	s7 =	sld [smem:$0x3FB3]  }
0x2d: {  	s3 =	simm.s32 $0x108;
	s8 =	sld [smem:$0x3FB4]  }
0x2e: {  	s3 =	simm.s32 @!p0 $0x1082;
	s9 =	sld [smem:$0x3FB5]  }
0x2f: {  	lr =	sadd.s32 s0, s3;
	s0 =	sld [smem:$0x3FAC]  }
0x30: {  	s3 =	sld [smem:$0x3FAF]  }
0x31: {  	[smem:$0x3FB8] =	sst s10  }
0x32: {  	s10 =	sld [smem:$0x3FB6];
	_ =	sdelay $0x3  }
0x33: {  	p0 =	seq.s32 s10, $0x1;
	s10 =	sld [smem:$0x3FB8];
	_ =	sdelay $0x3  }
0x34: {  	[smem:$0x3FB8] =	sst s10  }
0x35: {  	s10 =	sld [smem:$0x3FB7];
	_ =	sdelay $0x3  }
0x36: {  	p1 =	seq.s32 s10, $0x1;
	s10 =	sld [smem:$0x3FB8];
	_ =	sdelay $0x3  }
0x37: {  	[smem:$0x3FB8] =	sst s10  }
0x38: {  	s10 =	sld [smem:$0x3FB9]  }
0x39: {  	_ = 	snop;
	(pc) =	sbr.ind lr, $3  }
0x3a: {  	_ = 	snop  }
0x3b: {  	_ = 	snop  }
0x3c: {  	p2 =	seq.s32 s10, $0x1;
	s10 =	sld [smem:$0x3FB8]  }
0x3d: {  	_ =	shalt  }
0x3e: {  	_ =	shalt  }
0x3f: {  	_ =	shalt  }
0x40: {  	_ =	shalt  }
0x41: {  	_ =	shalt  }
0x42: {  	_ =	shalt  }
0x43: {  	_ =	shalt  }
0x44: {  	_ =	shalt  }
0x45: {  	_ =	shalt  }
0x46: {  	_ =	shalt  }
0x47: {  	_ =	shalt  }
0x48: {  	_ =	shalt  }
0x49: {  	_ =	shalt  }
0x4a: {  	_ =	shalt  }
0x4b: {  	_ =	shalt  }
0x4c: {  	_ =	shalt  }
0x4d: {  	_ =	shalt  }
0x4e: {  	_ =	shalt  }
0x4f: {  	_ =	shalt  }
0x50: {  	_ =	shalt  }
0x51: {  	_ =	shalt  }
0x52: {  	_ =	shalt  }
0x53: {  	_ =	shalt  }
0x54: {  	_ =	shalt  }
0x55: {  	_ =	shalt  }
0x56: {  	_ =	shalt  }
0x57: {  	_ =	shalt  }
0x58: {  	_ =	shalt  }
0x59: {  	_ =	shalt  }
0x5a: {  	_ =	shalt  }
0x5b: {  	_ =	shalt  }
0x5c: {  	_ =	shalt  }
0x5d: {  	_ =	shalt  }
0x5e: {  	_ =	shalt  }
0x5f: {  	_ =	shalt  }
0x60: {  	_ =	shalt  }
0x61: {  	_ =	shalt  }
0x62: {  	_ =	shalt  }
0x63: {  	_ =	shalt  }
0x64: {  	_ =	shalt  }
0x65: {  	_ =	shalt  }
0x66: {  	_ =	shalt  }
0x67: {  	_ =	shalt  }
0x68: {  	_ =	shalt  }
0x69: {  	_ =	shalt  }
0x6a: {  	_ =	shalt  }
0x6b: {  	_ =	shalt  }
0x6c: {  	_ =	shalt  }
0x6d: {  	_ =	shalt  }
0x6e: {  	_ =	shalt  }
0x6f: {  	_ =	shalt  }
0x70: {  	_ =	shalt  }
0x71: {  	_ =	shalt  }
0x72: {  	_ =	shalt  }
0x73: {  	_ =	shalt  }
0x74: {  	_ =	shalt  }
0x75: {  	_ =	shalt  }
0x76: {  	_ =	shalt  }
0x77: {  	_ =	shalt  }
0x78: {  	_ =	shalt  }
0x79: {  	_ =	shalt  }
0x7a: {  	_ =	shalt  }
0x7b: {  	_ =	shalt  }
0x7c: {  	_ =	shalt  }
0x7d: {  	_ =	shalt  }
0x7e: {  	_ =	shalt  }
0x7f: {  	_ =	shalt  }
0x80: {  	_ =	shalt  }
0x81: {  	_ =	shalt  }
0x82: {  	_ =	shalt  }
0x83: {  	_ =	shalt  }
0x84: {  	_ =	shalt  }
0x85: {  	_ =	shalt  }
0x86: {  	_ =	shalt  }
0x87: {  	_ =	shalt  }
.Lfunc_end0:
.L_simem_size_0:
called_computation.1_lowered:
.L_overlay_start_0:
0x88: {  	s2 =	sld [smem:$0x3FD9]  }
0x89: {  	s3 =	sld [smem:$0x3FFE];
	_ =	sdelay $0x1  }
0x8a: {  	s1 =	srdreg.scid  }
0x8b: {  	s0 =	sand.u32 $0x1, s1  }
0x8c: {  	s14 =	sshll.u32 s0, $0xA;
	s2 =	sadd.s32 s3, s2  }
0x8d: {  	s2 =	sadd.s32 s2, s14  }
0x8e: {  	[smem:$0x3FC4] =	sst s2  }
0x8f: {  	_ = 	snop  }
0x90: {  	s2 =	sld [smem:$0x3FD0];
	_ =	sdelay $0x2  }
0x91: {  	s15 =	simm.s32 $0xA;
	s4 =	simm.s32 $0x10  }
0x92: {  	[smem:s4], [sflag:s15] =	dma.local [hbm:s2], $0x1  }
0x93: {  	_ =	swait.eq [sflag:s15], $0x1  }
0x94: {  	[sflag:s15] =	ssyncset.done $0x0  }
0x95: {  	[sflag:s15] =	ssyncadd.s32 $0xFFFFFFFF  }
0x96: {  	s16 =	sld [smem:$0x10];
	(tm) =	ssettm $0x1  }
0x97: {  	s17 =	sld [smem:$0x3FFB];
	_ =	sdelay $0x3  }
0x98: {  	_ =	strace s17  }
0x99: {  	s3 =	sld [smem:$0x3FFC];
	_ =	sdelay $0x3  }
0x9a: {  	_ =	strace s3  }
0x9b: {  	s3 =	sld [smem:$0x3FFD];
	_ =	sdelay $0x3  }
0x9c: {  	_ =	strace s3  }
0x9d: {  	_ =	strace $0x8FFFFFFF  }
0x9e: {  	s18 =	sld [smem:$0x3FDB];
	_ =	sdelay $0x1  }
0x9f: {  	s19 =	simm.s32 $_scs_section_size  }
0xa0: {  	s5 =	simm.s32 $_size__tile_overlayer_lowered;
	s6 =	simm.s32 $_tile_overlayer_lowered  }
0xa1: {  	s22 =	simm.s32 $0x1BFF;
	s21 =	sshll.u32 s6, $0x1;
	s3 =	sadd.s32 s19, s18  }
0xa2: {  	s7 =	simm.s32 $0x0;
	s20 =	sshll.u32 s5, $0x1;
	s5 =	sadd.s32 s21, s3  }
0xa3: {  	[timem:s7], [sflag:s22] =	dma.local [hbm:s5], s20  }
0xa4: {  	_ =	swait.ge [sflag:s22], s20  }
0xa5: {  	s4 =	ssub.s32 $0x0, s20;
	[sflag:s22] =	ssyncset.done $0x0  }
0xa6: {  	[sflag:s22] =	ssyncadd.s32 s4;
	_ =	sdelay $0x1  }
0xa7: {  	s23 =	simm.s32 $0x1B8B  }
0xa8: {  	_ =	swait.ge [sflag:s23], $0x1  }
0xa9: {  	[sflag:s23] =	ssyncset.done $0x0  }
0xaa: {  	s25 =	simm.s32 $0x1B8E;
	s24 =	sld [smem:$0x3FFE];
	[sflag:s23] =	ssyncadd.s32 $0xFFFFFFFF  }
0xab: {  	s26 =	simm.s32 $execute0_lowered;
	[smem:$0x3FD2] =	sst s25  }
0xac: {  	s5 =	sshll.u32 s26, $0x1;
	_ =	strace $0x80000046;
	[dreg:$0x1] =	wrdreg $0xFFFFFFFF  }
0xad: {  	s28 =	simm.s32 $_size_execute0_lowered;
	s3 =	sadd.s32 s3, s5;
	[dreg:$0x0] =	wrdreg $0x0  }
0xae: {  	s5 =	sshll.u32 s28, $0x1;
	[dreg:$0x2] =	wrdreg s3  }
0xaf: {  	[dreg:$0x3] =	wrdreg s5  }
0xb0: {  	[dreg:$0x4] =	wrdreg $0xC0  }
0xb1: {  	_ =	task [dreg:s7], $0x5FFFF  }
0xb2: {  	[dreg:$0x1] =	wrdreg $0xFFFFFFFF  }
0xb3: {  	[dreg:$0x0] =	wrdreg $0x60  }
0xb4: {  	[dreg:$0x2] =	wrdreg s24  }
0xb5: {  	[dreg:$0x3] =	wrdreg s16  }
0xb6: {  	[dreg:$0x4] =	wrdreg $0x9  }
0xb7: {  	_ =	task.clear_ibuf [dreg:s7], $0x5FFFF;
	_ =	strace $0x90000046  }
0xb8: {  	s29 =	simm.s32 $0x9;
	_ =	strace $0x80000048  }
0xb9: {  	_ =	swait.ge [sflag:s29], $0x1  }
0xba: {  	[sflag:s29] =	ssyncadd.s32 $0xFFFFFFFF  }
0xbb: {  	_ =	strace $0x90000048  }
0xbc: {  	_ =	sfence  }
0xbd: {  	s30 =	sld [smem:$0x0];
	_ =	sdelay $0x2  }
0xbe: {  	s31 =	sshll.u32 s1, $0xD;
	s1 =	sshrl.u32 s1, $0x2  }
0xbf: {  	s3 =	sand.u32 $0x4000, s31;
	s1 =	sadd.s32 s1, s30  }
0xc0: {  	s0 =	sor.u32 s3, s0;
	s1 =	sshll.u32 s1, $0x11  }
0xc1: {  	s0 =	sor.u32 s1, s0  }
0xc2: {  	s0 =	sadd.s32 $0x8F2B, s0  }
0xc3: {  	[sflag:s0] =	ssyncadd.remote.s32 $0x1  }
0xc4: {  	_ =	sfence.sel $0xFFFF  }
0xc5: {  	[dreg:$0x0] =	wrdreg $0xFFFFFFFF;
	(pc) =	sbr.abs _section_cstart, $3  }
0xc6: {  	[dreg:$0x1] =	wrdreg $0xFFFFFFFF  }
0xc7: {  	_ =	task.clear_ibuf [dreg:s7], $0x2FFFF;
	_ =	strace $0x9FFFFFFF  }
0xc8: {  	(tm) =	ssettm $0x7FFFFFFF  }
0xc9: {  	_ =	shalt  }
tec
execute0_lowered:
.L_overlay_start_1:
0x0: {  	(tag) =	ssettag $0x1  }
0x1: {  	s4 =	rddreg [dreg:$0x0];
	s1 =	srdreg.scid  }
0x2: {  	s0 =	stileid.u32;
	s2 =	rddreg [dreg:$0x1]  }
0x3: {  	s3 =	simm.s32 $0x0;
	s9 =	simm.s32 $0x80;
	s10 =	simm.s32 $0x3400  }
0x4: {  	s11 =	simm.s32 $0x7400;
	s12 =	simm.s32 $0xB400;
	s13 =	simm.s32 $0xF400  }
0x5: {  	s14 =	simm.s32 $0x1;
	s15 =	simm.s32 $0x3;
	s16 =	simm.s32 $0x2  }
0x6: {  	s17 =	simm.s32 $0x4;
	s5 =	sand.u32 $0x1, s1;
	s6 =	sshll.u32 s0, $0x1  }
0x7: {  	s18 =	simm.s32 $0x0;
	s1 =	rddreg [dreg:$0x2];
	s6 =	sor.u32 s5, s6  }
0x8: {  	[smem:$0x7FF] =	sst s3;
	s5 =	ssub.s32 $0x2, s5;
	s7 =	smul.u32 $0x680, s6  }
0x9: {  	_ =	strace $0x80000047;
	s8 =	sshrl.u32 s5, $0x1;
	s6 =	smul.u32 $0xD0000, s6  }
0xa: {  	s8 =	ssub.s32 s5, s8;
	s7 =	sadd.s32 s7, s4;
	s4 =	sadd.s32 $0xF50000, s4  }
0xb: {  	s5 =	sadd.s32 $0xC00, s7;
	s7 =	smax.u32 s8, $0x1;
	s8 =	simm.s32 $0x5  }
.LBB2_1:
0xc: {  	[tilespmem:s3], [sflag:$0x5] =	stream.linear.gather [hbm4b:s5+s3], $0x3400, $0x38;
	[tilespmem:$0x13400] =	vst v63  }
0xd: {  	_ =	swait.ge [sflag:s8], $0x3400  }
0xe: {  	[sflag:s8] =	ssyncset.done $0x0  }
0xf: {  	[sflag:s8] =	ssyncadd.s32 $0xFFFFCC00  }
0x10: {  	[tilespmem:s10], [sflag:$0x1] =	stream.indirect.gather [hbm4b:s4+s9], $0x80, s3, s9, $0xb8;
	[tilespmem:$0x13400] =	vst v63  }
0x11: {  	s19 =	simm.s32 $0x0  }
0x12: {  	[tilespmem:s11], [sflag:$0x1] =	stream.indirect.gather [hbm4b:s4+s9], $0x80, s9, s9, $0xb8;
	[tilespmem:$0x13400] =	vst v63  }
.LBB2_2:
0x13: {  	p0 =	seq.s32 s19, $0x0  }
0x14: {  	s20 =	sshll.u32 s19, $0x1;
	s21 =	simm.s32 @!p0 $0x4  }
0x15: {  	s20 =	sor.u32 $0x1, s20;
	_ =	swait.ge @!p0 [sflag:s21], $0x4000  }
0x16: {  	s22 =	sshll.u32 s20, $0x8;
	[sflag:s21] =	ssyncset.done @!p0 $0x0  }
0x17: {  	s30 =	sand.u32 $0x3FFFFF00, s22;
	[sflag:s21] =	ssyncadd.s32 @!p0 $0xFFFFC000  }
0x18: {  	[tilespmem:s12], [sflag:$0x2] =	stream.indirect.gather [hbm4b:s4+s9], $0x80, s30, s9, $0xb8;
	[tilespmem:$0x13400] =	vst v63  }
0x19: {  	s31 =	sshll.u32 s19, $0xF;
	s21 =	sor.u32 $0x80, s30  }
0x1a: {  	[tilespmem:s13], [sflag:$0x2] =	stream.indirect.gather [hbm4b:s4+s9], $0x80, s21, s9, $0xb8;
	[tilespmem:$0x13400] =	vst v63  }
0x1b: {  	s21 =	sadd.s32 s6, s31  }
0x1c: {  	s23 =	simm.s32 $0x8;
	_ =	swait.ge [sflag:s14], $0x8000;
	s21 =	sshrl.u32 s21, $0x3  }
0x1d: {  	s24 =	simm.s32 $0x3480;
	[sflag:s14] =	ssyncset.done $0x0;
	s21 =	sadd.s32 s2, s21  }
0x1e: {  	s22 =	simm.s32 $0x3400;
	[sflag:s14] =	ssyncadd.s32 $0xFFFF8000;
	s25 =	sadd.s32 $0x0, s21  }
.LBB2_3:
0x1f: {  	[hbm4b:s25+s3] =	stream.linear.scatter [tilespmem:s22], [sflag:$0x3], $0x40, $0x38;
	[tilespmem:$0x13400] =	vst v63  }
0x20: {  	s25 =	smov.u32 s23;
	s22 =	smov.u32 s24;
	p0 =	sne.s32 s23, $0x7F8  }
.Ltmp0:
0x21: {  	s23 =	sadd.s32 $0x8, s23;
	(pc) =	sbr.rel @p0 .LBB2_3-.Ltmp0, $2  }
0x22: {  	_ =	sdelay $0x2  }
0x23: {  	s24 =	sadd.s32 $0x80, s24;
	s25 =	sadd.s32 s25, s21  }
0x24: {  	[hbm4b:s25+s3] =	stream.linear.scatter [tilespmem:s22], [sflag:$0x3], $0x40, $0x38;
	[tilespmem:$0x13400] =	vst v63  }
0x25: {  	p0 =	seq.s32 s19, $0x19;
	s20 =	sshll.u32 s20, $0xE  }
0x26: {  	_ =	swait.ge [sflag:s15], $0x4000;
	s21 =	sshll.u32 @!p0 s19, $0x9;
	s23 =	simm.s32 @!p0 $0x80  }
0x27: {  	s24 =	simm.s32 @!p0 $0x3400;
	[sflag:s15] =	ssyncset.done $0x0;
	s21 =	sand.u32 @!p0 $0x3FFFFE00, s21  }
0x28: {  	s20 =	sadd.s32 s6, s20;
	[sflag:s15] =	ssyncadd.s32 $0xFFFFC000;
	s22 =	sadd.s32 @!p0 $0x200, s21  }
0x29: {  	[tilespmem:s24], [sflag:$0x1] =	stream.indirect.gather @!p0 [hbm4b:s4+s23], $0x80, s22, s23, $0xb8;
	[tilespmem:$0x13400] =	vst v63  }
0x2a: {  	s20 =	sshrl.u32 s20, $0x3;
	s21 =	sadd.s32 @!p0 $0x280, s21;
	s22 =	simm.s32 @!p0 $0x7400  }
0x2b: {  	[tilespmem:s22], [sflag:$0x1] =	stream.indirect.gather @!p0 [hbm4b:s4+s23], $0x80, s21, s23, $0xb8;
	[tilespmem:$0x13400] =	vst v63  }
0x2c: {  	s20 =	sadd.s32 s2, s20;
	_ =	swait.ge [sflag:s16], $0x8000  }
0x2d: {  	s24 =	sadd.s32 $0x0, s20;
	s21 =	simm.s32 $0xB400;
	[sflag:s16] =	ssyncset.done $0x0  }
0x2e: {  	s22 =	simm.s32 $0x8;
	s23 =	simm.s32 $0xB480;
	[sflag:s16] =	ssyncadd.s32 $0xFFFF8000  }
.LBB2_5:
0x2f: {  	[hbm4b:s24+s3] =	stream.linear.scatter [tilespmem:s21], [sflag:$0x4], $0x40, $0x38;
	[tilespmem:$0x13400] =	vst v63  }
0x30: {  	s24 =	smov.u32 s22;
	s21 =	smov.u32 s23;
	p0 =	sne.s32 s22, $0x7F8  }
.Ltmp1:
0x31: {  	s22 =	sadd.s32 $0x8, s22;
	(pc) =	sbr.rel @p0 .LBB2_5-.Ltmp1, $2  }
0x32: {  	_ =	sdelay $0x2  }
0x33: {  	s23 =	sadd.s32 $0x80, s23;
	s24 =	sadd.s32 s24, s20  }
0x34: {  	s19 =	sadd.s32 $0x1, s19  }
0x35: {  	p0 =	sne.s32 s19, $0x1A  }
.Ltmp2:
0x36: {  	_ = 	snop;
	(pc) =	sbr.rel @p0 .LBB2_2-.Ltmp2, $2  }
0x37: {  	_ =	sdelay $0x2  }
0x38: {  	[hbm4b:s24+s3] =	stream.linear.scatter [tilespmem:s21], [sflag:$0x4], $0x40, $0x38;
	[tilespmem:$0x13400] =	vst v63  }
0x39: {  	s18 =	sadd.s32 $0x1, s18  }
0x3a: {  	p0 =	sne.s32 s18, s7  }
.Ltmp3:
0x3b: {  	_ = 	snop;
	(pc) =	sbr.rel @p0 .LBB2_1-.Ltmp3, $4  }
0x3c: {  	_ = 	snop  }
0x3d: {  	_ =	swait.ge [sflag:s17], $0x4000  }
0x3e: {  	[sflag:s17] =	ssyncset.done $0x0  }
0x3f: {  	[sflag:s17] =	ssyncadd.s32 $0xFFFFC000  }
0x40: {  	_ =	sfence.sel $0x180000  }
0x41: {  	[bflag:$0x0] =	sbarrier.arrive $0xFFFF  }
0x42: {  	p0 =	sne.s32 s0, $0x0;
	_ =	strace $0x90000047  }
0x43: {  	s0 =	sadd.s32 @!p0 $0x100000, s1;
	[bflag:$0x2] =	sbarrier.arrive $0xFFFF  }
0x44: {  	[sflag:s0] =	ssyncadd.tile.s32 @!p0 $0x1;
	_ =	shalt  }
.Lfunc_end2:
_tile_overlayer_lowered:
.L_overlay_start_2:
0x45: {  	(tag) =	ssettag $0x2  }
0x46: {  	s0 =	rddreg [dreg:$0x0];
	s2 =	stileid.u32  }
0x47: {  	s1 =	rddreg [dreg:$0x1];
	p0 =	sne.s32 s2, $0x0  }
0x48: {  	s3 =	rddreg [dreg:$0x2];
	[bflag:$0x3] =	sbarrier.arrive $0xFFFF;
	s2 =	simm.s32 @!p0 $0x1C05  }
0x49: {  	[timem:s3], [sflag:s2] =	dma.local @!p0 [hbm:s0], s1  }
0x4a: {  	s0 =	simm.s32 @!p0 $0x5  }
0x4b: {  	_ =	swait.ge @!p0 [sflag:s0], s1  }
0x4c: {  	s1 =	ssub.s32 @!p0 $0x0, s1;
	[sflag:s0] =	ssyncset.done @!p0 $0x0  }
0x4d: {  	[sflag:s0] =	ssyncadd.s32 @!p0 s1  }
0x4e: {  	[bflag:$0x3] =	sbarrier.arrive $0xFFFF  }
0x4f: {  	_ =	shalt  }

// kernel: sparse-core-data-format-call.cloned.1.call-start
scs
called_computation_lowered:
.L_overlay_start_0:
0x0: {  	s2 =	sld [smem:$0x3FD9]  }
0x1: {  	s3 =	sld [smem:$0x3FFE];
	_ =	sdelay $0x1  }
0x2: {  	s1 =	srdreg.scid  }
0x3: {  	s0 =	sand.u32 $0x1, s1  }
0x4: {  	s15 =	sshll.u32 s0, $0xA;
	s2 =	sadd.s32 s3, s2  }
0x5: {  	s2 =	sadd.s32 s2, s15  }
0x6: {  	[smem:$0x3FC4] =	sst s2  }
0x7: {  	_ = 	snop  }
0x8: {  	s2 =	sld [smem:$0x3FD0];
	_ =	sdelay $0x2  }
0x9: {  	s16 =	simm.s32 $0xA;
	s4 =	simm.s32 $0x10  }
0xa: {  	[smem:s4], [sflag:s16] =	dma.local [hbm:s2], $0x1  }
0xb: {  	_ =	swait.eq [sflag:s16], $0x1  }
0xc: {  	[sflag:s16] =	ssyncset.done $0x0  }
0xd: {  	[sflag:s16] =	ssyncadd.s32 $0xFFFFFFFF  }
0xe: {  	s17 =	sld [smem:$0x10];
	(tm) =	ssettm $0x1  }
0xf: {  	s18 =	sld [smem:$0x3FFB];
	_ =	sdelay $0x3  }
0x10: {  	_ =	strace s18  }
0x11: {  	s3 =	sld [smem:$0x3FFC];
	_ =	sdelay $0x3  }
0x12: {  	_ =	strace s3  }
0x13: {  	s3 =	sld [smem:$0x3FFD];
	_ =	sdelay $0x3  }
0x14: {  	_ =	strace s3  }
0x15: {  	_ =	strace $0x8FFFFFFF  }
0x16: {  	s19 =	sld [smem:$0x3FDB];
	_ =	sdelay $0x1  }
0x17: {  	s20 =	simm.s32 $_scs_section_size  }
0x18: {  	s5 =	simm.s32 $_size__tile_overlayer_lowered;
	s6 =	simm.s32 $_tile_overlayer_lowered  }
0x19: {  	s23 =	simm.s32 $0x1BFF;
	s22 =	sshll.u32 s6, $0x1;
	s3 =	sadd.s32 s20, s19  }
0x1a: {  	s7 =	simm.s32 $0x0;
	s21 =	sshll.u32 s5, $0x1;
	s5 =	sadd.s32 s22, s3  }
0x1b: {  	[timem:s7], [sflag:s23] =	dma.local [hbm:s5], s21  }
0x1c: {  	_ =	swait.ge [sflag:s23], s21  }
0x1d: {  	s4 =	ssub.s32 $0x0, s21;
	[sflag:s23] =	ssyncset.done $0x0  }
0x1e: {  	[sflag:s23] =	ssyncadd.s32 s4;
	_ =	sdelay $0x1  }
0x1f: {  	s24 =	simm.s32 $0x1B8B  }
0x20: {  	_ =	swait.ge [sflag:s24], $0x1  }
0x21: {  	[sflag:s24] =	ssyncset.done $0x0  }
0x22: {  	s26 =	simm.s32 $0x1B8E;
	s25 =	sld [smem:$0x3FFE];
	[sflag:s24] =	ssyncadd.s32 $0xFFFFFFFF  }
0x23: {  	s27 =	simm.s32 $execute0_lowered;
	[smem:$0x3FD2] =	sst s26  }
0x24: {  	s5 =	sshll.u32 s27, $0x1;
	_ =	strace $0x80000049;
	[dreg:$0x1] =	wrdreg $0xFFFFFFFF  }
0x25: {  	s28 =	simm.s32 $_size_execute0_lowered;
	s3 =	sadd.s32 s3, s5;
	[dreg:$0x0] =	wrdreg $0x0  }
0x26: {  	s5 =	sshll.u32 s28, $0x1;
	[dreg:$0x2] =	wrdreg s3  }
0x27: {  	[dreg:$0x3] =	wrdreg s5  }
0x28: {  	[dreg:$0x4] =	wrdreg $0xC0  }
0x29: {  	_ =	task [dreg:s7], $0x5FFFF  }
0x2a: {  	[dreg:$0x1] =	wrdreg $0xFFFFFFFF  }
0x2b: {  	[dreg:$0x0] =	wrdreg $0x60  }
0x2c: {  	[dreg:$0x2] =	wrdreg s25  }
0x2d: {  	[dreg:$0x3] =	wrdreg s17  }
0x2e: {  	[dreg:$0x4] =	wrdreg $0x9  }
0x2f: {  	_ =	task.clear_ibuf [dreg:s7], $0x5FFFF;
	_ =	strace $0x90000049  }
0x30: {  	s29 =	simm.s32 $0x9;
	_ =	strace $0x8000004B  }
0x31: {  	_ =	swait.ge [sflag:s29], $0x1  }
0x32: {  	[sflag:s29] =	ssyncadd.s32 $0xFFFFFFFF  }
0x33: {  	_ =	strace $0x9000004B  }
0x34: {  	_ =	sfence  }
0x35: {  	s30 =	sld [smem:$0x0];
	_ =	sdelay $0x2  }
0x36: {  	s31 =	sshll.u32 s1, $0xD;
	s1 =	sshrl.u32 s1, $0x2  }
0x37: {  	s3 =	sand.u32 $0x4000, s31;
	s1 =	sadd.s32 s1, s30  }
0x38: {  	s0 =	sor.u32 s3, s0;
	s1 =	sshll.u32 s1, $0x11  }
0x39: {  	s0 =	sor.u32 s1, s0  }
0x3a: {  	s0 =	sadd.s32 $0x8F2B, s0  }
0x3b: {  	[sflag:s0] =	ssyncadd.remote.s32 $0x1  }
0x3c: {  	_ =	sfence.sel $0xFFFF  }
0x3d: {  	[dreg:$0x0] =	wrdreg $0xFFFFFFFF;
	(pc) =	sbr.abs _section_cstart, $3  }
0x3e: {  	[dreg:$0x1] =	wrdreg $0xFFFFFFFF  }
0x3f: {  	_ =	task.clear_ibuf [dreg:s7], $0x2FFFF;
	_ =	strace $0x9FFFFFFF  }
0x40: {  	(tm) =	ssettm $0x7FFFFFFF  }
0x41: {  	_ =	shalt  }
tec
execute0_lowered:
.L_overlay_start_1:
0x0: {  	(tag) =	ssettag $0x1  }
0x1: {  	s0 =	srdreg.scid  }
0x2: {  	s1 =	sshll.u32 s0, $0x4  }
0x3: {  	s0 =	stileid.u32;
	s1 =	sand.u32 $0x10, s1  }
0x4: {  	s7 =	rddreg [dreg:$0x0];
	s1 =	sor.u32 s0, s1  }
0x5: {  	s4 =	simm.s32 $0x1;
	s8 =	simm.s32 $0x2;
	s2 =	sshll.u32 s1, $0x7  }
0x6: {  	s13 =	simm.s32 $0x0;
	s9 =	simm.s32 $0x20000;
	s1 =	ssub.s32 $0x4000, s2  }
0x7: {  	s14 =	simm.s32 $0x0;
	s11 =	simm.s32 $0x0;
	s3 =	sand.u32 $0xF80, s1  }
0x8: {  	s12 =	simm.s32 $0x0;
	s5 =	sshrl.u32 s1, $0xC;
	p0 =	sne.s32 s3, $0x0  }
.Ltmp0:
0x9: {  	s1 =	rddreg [dreg:$0x2];
	s4 =	simm.s32 @!p0 $0x0;
	(pc) =	sbr.rel .LBB1_1-.Ltmp0, $4  }
0xa: {  	s6 =	sadd.s32 $0xC00, s7;
	s3 =	rddreg [dreg:$0x1];
	s5 =	sadd.s32 s4, s5  }
0xb: {  	_ =	strace $0x8000004A;
	s4 =	simm.s32 $0x1;
	s5 =	smul.u32 $0xD, s5  }
0xc: {  	s7 =	sadd.s32 $0x40C00, s7;
	s10 =	smov.u32 s2;
	[sflag:s4] =	ssyncpa.u1 $0x0  }
0xd: {  	p0 =	por $0x0, $0x0;
	[sflag:s8] =	ssyncpa.u1 $0x0;
	s8 =	sadd.s32 $0x1, s5  }
.LBB1_7:
0xe: {  	s15 =	sadd.s32 $0x1000, s10  }
0xf: {  	s13 =	sadd.s32 $0x2, s11;
	s17 =	smov.u32 s11;
	p2 =	sgt.s32 s15, $0x3FFF  }
0x10: {  	s17 =	smov.u32 @p2 s13  }
0x11: {  	s15 =	smov.u32 @p2 s2;
	p2 =	sgt.s32 s17, $0x19  }
0x12: {  	s17 =	simm.s32 @p2 $0x0;
	p2 =	sne.s32 s12, s8  }
.Ltmp1:
0x13: {  	p1 =	slt.u32 s12, $0x2;
	(pc) =	sbr.rel @!p2 .LBB1_8-.Ltmp1, $4  }
0x14: {  	s16 =	simm.s32 @!p1 $0x2  }
0x15: {  	s14 =	smov.u32 s11;
	p0 =	por !p0, !p0;
	_ =	swait.ge @!p1 [sflag:s16], $0x4000  }
0x16: {  	s13 =	smov.u32 s10;
	[sflag:s16] =	ssyncset.done @!p1 $0x0;
	s10 =	smov.u32 s15  }
0x17: {  	s12 =	sadd.s32 $0x1, s12;
	[sflag:s16] =	ssyncadd.s32 @!p1 $0xFFFFC000;
	s11 =	smov.u32 s17  }
.LBB1_1:
0x18: {  	p1 =	sge.u32 s12, s5  }
0x19: {  	s15 =	sxor.u32 @!p1 $0xFFFFFFFF, s12;
	s16 =	sshll.u32 @!p1 s11, $0x12  }
0x1a: {  	s17 =	sshll.u32 @!p1 s10, $0x4;
	s19 =	simm.s32 @!p1 $0x40;
	s20 =	simm.s32 @!p1 $0x80  }
0x1b: {  	s15 =	sshll.u32 @!p1 s15, $0xE;
	s17 =	sand.u32 @!p1 $0x3FFF0, s17;
	s18 =	sadd.s32 @!p1 s6, s16  }
0x1c: {  	s16 =	sadd.s32 @!p1 s16, s7;
	s15 =	sand.u32 @!p1 $0x4000, s15;
	s18 =	sadd.s32 @!p1 s17, s18  }
0x1d: {  	[tilespmem:s15], [sflag:$0x1] =	stream.strided.gather @!p1 [hbm4b:s18+s19], $0x2000, s20, s19, $0x38;
	[tilespmem:$0x10100] =	vst v63  }
0x1e: {  	s31 =	sadd.s32 $0xFFFFFFFF, s12;
	s16 =	sadd.s32 @!p1 s17, s16;
	s15 =	sor.u32 @!p1 $0x2000, s15  }
0x1f: {  	[tilespmem:s15], [sflag:$0x1] =	stream.strided.gather @!p1 [hbm4b:s16+s19], $0x2000, s20, s19, $0x38;
	[tilespmem:$0x10100] =	vst v63  }
0x20: {  	p1 =	sge.u32 s31, s5  }
.Ltmp2:
0x21: {  	_ = 	snop;
	(pc) =	sbr.rel @p1 .LBB1_7-.Ltmp2, $1  }
0x22: {  	_ =	sdelay $0x3  }
0x23: {  	s15 =	simm.s32 $0x1;
	s17 =	sand.u32 $0x1, s12  }
0x24: {  	_ =	swait.ge [sflag:s4], $0x4000;
	s15 =	simm.s32 @!p0 $0x0;
	s17 =	smul.u32 $0x10200, s17  }
0x25: {  	p2 =	por $0x1, $0x1;
	[sflag:s4] =	ssyncset.done $0x0;
	s16 =	smul.u32 $0x10200, s15  }
0x26: {  	s18 =	sshll.u32 s15, $0x10;
	[sflag:s4] =	ssyncadd.s32 $0xFFFFC000;
	s30 =	sshrl.u32 s17, $0x2  }
0x27: {  	s31 =	sshrl.u32 s18, $0x2;
	s18 =	simm.s32 $0x0;
	s16 =	sshrl.u32 s16, $0x2  }
0x28: {  	s15 =	sor.u32 $0x8000, s30;
	s17 =	sadd.s32 $0x20, s31;
	s16 =	sor.u32 $0x8000, s16  }
.LBB1_3:
0x29: {  	s19 =	sshll.u32 s18, $0xD  }
0x2a: {  	s19 =	sand.u32 $0x3FFFE000, s19  }
0x2b: {  	s21 =	sadd.s32 s19, s17  }
0x2c: {  	s31 =	smul.u32 $0x8100, s18;
	v3 =	vld [tilespmem:s21+$0x10]  }
0x2d: {  	v1 =	vld [tilespmem:s21+$0xFFFFFFF0]  }
0x2e: {  	s18 =	sshra.s32 s31, $0x2;
	v0 =	vld [tilespmem:s21+$0x0]  }
0x2f: {  	s18 =	sadd.s32 s18, s16;
	v2 =	vld [tilespmem:s21+$0xFFFFFFE0]  }
0x30: {  	s19 =	sadd.s32 $0x0, s18  }
0x31: {  	p1 =	por p2, p2;
	s20 =	simm.s32 $0x4;
	s21 =	sadd.s32 $0x40, s21;
	[tilespmem:s19+$0x1830 ss:$0x81] =	vst.msk $0xffff, v3  }
.LBB1_4:
0x32: {  	v3 =	vld [tilespmem:s21+$0x10];
	p2 =	sne.s32 s20, $0x1FC;
	[tilespmem:s19+$0x810 ss:$0x81] =	vst.msk $0xffff, v1;
	s22 =	smov.u32 s20;
	s20 =	sadd.s32 $0x4, s20  }
.Ltmp3:
0x33: {  	v1 =	vld [tilespmem:s21+$0xFFFFFFF0];
	[tilespmem:s19+$0x1020 ss:$0x81] =	vst.msk $0xffff, v0;
	(pc) =	sbr.rel @p2 .LBB1_4-.Ltmp3, $4  }
0x34: {  	v0 =	vld [tilespmem:s21+$0x0];
	[tilespmem:s19+$0x0 ss:$0x81] =	vst.msk $0xffff, v2  }
0x35: {  	s19 =	sshra.s32 s22, $0x2;
	v2 =	vld [tilespmem:s21+$0xFFFFFFE0]  }
0x36: {  	s19 =	sadd.s32 s19, s18  }
0x37: {  	s21 =	sadd.s32 $0x40, s21;
	[tilespmem:s19+$0x1830 ss:$0x81] =	vst.msk $0xffff, v3  }
.Ltmp4:
0x38: {  	(pc) =	sbr.rel @p1 .LBB1_3-.Ltmp4, $4  }
0x39: {  	_ = 	snop  }
0x3a: {  	[tilespmem:s19+$0x810 ss:$0x81] =	vst.msk $0xffff, v1  }
0x3b: {  	[tilespmem:s19+$0x1020 ss:$0x81] =	vst.msk $0xffff, v0  }
0x3c: {  	s18 =	simm.s32 $0x1;
	p2 =	por $0x0, $0x0;
	[tilespmem:s19+$0x0 ss:$0x81] =	vst.msk $0xffff, v2  }
0x3d: {  	s16 =	sshll.u32 s13, $0x3;
	s17 =	sand.u32 $0x78, s13;
	s14 =	sshll.u32 s14, $0x11  }
.Ltmp5:
0x3e: {  	s30 =	sand.u32 $0x1F800, s13;
	s16 =	sand.u32 $0x3C00, s16;
	(pc) =	sbr.rel .LBB1_7-.Ltmp5, $4  }
0x3f: {  	s31 =	sand.u32 $0x7, s13;
	s14 =	sadd.s32 s3, s14;
	s16 =	sor.u32 s17, s16  }
0x40: {  	s13 =	sshll.u32 s31, $0x12;
	s14 =	sadd.s32 s30, s14;
	s16 =	sshrl.u32 s16, $0x3  }
0x41: {  	s13 =	sor.u32 $0x400, s13;
	s14 =	sadd.s32 s16, s14  }
0x42: {  	[hbm4b:s14+s13] =	stream.strided.scatter [tilespmem:s15], [sflag:$0x2], $0x4000, s9, s13, $0x20;
	[tilespmem:$0x10100] =	vst v63  }
.LBB1_8:
0x43: {  	_ =	sfence.sel $0x180000  }
0x44: {  	s2 =	simm.s32 $0x1;
	[bflag:$0x0] =	sbarrier.arrive $0xFFFF  }
0x45: {  	s31 =	simm.s32 $0x2;
	[sflag:s2] =	ssyncpa.u1 $0x1  }
0x46: {  	[sflag:s31] =	ssyncpa.u1 $0x1  }
0x47: {  	p0 =	sne.s32 s0, $0x0;
	_ =	strace $0x9000004A  }
0x48: {  	s0 =	sadd.s32 @!p0 $0x100000, s1;
	[bflag:$0x2] =	sbarrier.arrive $0xFFFF  }
0x49: {  	[sflag:s0] =	ssyncadd.tile.s32 @!p0 $0x1;
	_ =	shalt  }
.Lfunc_end1:
_tile_overlayer_lowered:
.L_overlay_start_2:
0x4a: {  	(tag) =	ssettag $0x2  }
0x4b: {  	s0 =	rddreg [dreg:$0x0];
	s2 =	stileid.u32  }
0x4c: {  	s1 =	rddreg [dreg:$0x1];
	p0 =	sne.s32 s2, $0x0  }
0x4d: {  	s3 =	rddreg [dreg:$0x2];
	[bflag:$0x3] =	sbarrier.arrive $0xFFFF;
	s2 =	simm.s32 @!p0 $0x1C01  }
0x4e: {  	[timem:s3], [sflag:s2] =	dma.local @!p0 [hbm:s0], s1  }
0x4f: {  	s0 =	simm.s32 @!p0 $0x1  }
0x50: {  	_ =	swait.ge @!p0 [sflag:s0], s1  }
0x51: {  	s1 =	ssub.s32 @!p0 $0x0, s1;
	[sflag:s0] =	ssyncset.done @!p0 $0x0  }
0x52: {  	[sflag:s0] =	ssyncadd.s32 @!p0 s1  }
0x53: {  	[bflag:$0x3] =	sbarrier.arrive $0xFFFF  }
0x54: {  	_ =	shalt  }

</sc_bundles>
